<compile_context>
chip_gen: v7x
topology: tpu7x:2x2x1
jax: 0.10.2.dev20260603
libtpu: 0.0.44.dev20260713+nightly
codegen_flags: <defaults>
</compile_context>

<pallas_src>
import functools

import jax
import jax.numpy as jnp
from jax import lax
from jax.experimental import pallas as pl
from jax.experimental.pallas import tpu as pltpu
from jax.experimental.pallas import tpu_sc as plsc

NUM_CORES = 2
NUM_SUBCORES = 16
NUM_WORKERS = NUM_CORES * NUM_SUBCORES
STREAM = 128
WBATCH = 256
NBLK = 16
NHALF = 2


def _gather_body(idx_hbm, table_hbm, out_hbm, idx_all, rows0, rows1,
                 g0, g1, o0, o1):
    n_slots = idx_hbm.shape[2] // (WBATCH // STREAM)
    n_seq = n_slots * NHALF
    wid = lax.axis_index("s") * NUM_CORES + lax.axis_index("c")
    p = wid // NHALF
    h = wid % NHALF
    nbatch = out_hbm.shape[0] // n_seq
    obase = h * n_slots * nbatch + p * WBATCH

    rows = (rows0, rows1)
    gsem = (g0, g1)
    osem = (o0, o1)

    pltpu.sync_copy(idx_hbm.at[p, h], idx_all)

    def gathers_start(i, b):
        for j in range(WBATCH // STREAM):
            pltpu.async_copy(
                table_hbm.at[idx_all.at[i * (WBATCH // STREAM) + j]],
                rows[b].at[pl.ds(j * STREAM, STREAM)], gsem[b])

    def gathers_wait(b):
        for j in range(WBATCH // STREAM):
            pltpu.make_async_copy(
                table_hbm.at[idx_all.at[0]],
                rows[b].at[pl.ds(j * STREAM, STREAM)], gsem[b]).wait()

    def out_start(i, b):
        pltpu.async_copy(
            rows[b], out_hbm.at[pl.ds(i * nbatch + obase, WBATCH)], osem[b])

    def out_wait(b):
        pltpu.make_async_copy(
            rows[b], out_hbm.at[pl.ds(obase, WBATCH)], osem[b]).wait()

    gathers_start(0, 0)
    gathers_start(1, 1)
    gathers_wait(0)
    out_start(0, 0)

    def pair(k, _):
        for b in (0, 1):
            i = 2 + 2 * k + b
            out_wait(b)
            gathers_start(i, b)
            gathers_wait(1 - b)
            out_start(i - 1, 1 - b)
        return ()

    n_steady = n_slots - 2
    lax.fori_loop(0, n_steady // 2, pair, (), unroll=False)
    if n_steady % 2:
        i = n_slots - 1
        b = i % 2
        out_wait(b)
        gathers_start(i, b)
        gathers_wait(1 - b)
        out_start(i - 1, 1 - b)

    last = n_slots - 1
    gathers_wait(last % 2)
    out_start(last, last % 2)
    out_wait((last + 1) % 2)
    out_wait(last % 2)


def kernel(indices, weight):
    b, s = indices.shape
    v, d = weight.shape
    n = b * s
    idx_perm = (indices.astype(jnp.int32)
                .reshape(NBLK, WBATCH // STREAM, STREAM, s)
                .transpose(0, 3, 1, 2)
                .reshape(NBLK, NHALF, (s // NHALF) * (WBATCH // STREAM),
                         STREAM))

    mesh = plsc.VectorSubcoreMesh(
        core_axis_name="c", subcore_axis_name="s",
        num_cores=NUM_CORES, num_subcores=NUM_SUBCORES,
    )
    run = functools.partial(
        pl.kernel,
        out_type=jax.ShapeDtypeStruct((n, d), jnp.float32),
        mesh=mesh,
        scratch_types=[
            pltpu.VMEM(((s // NHALF) * (WBATCH // STREAM), STREAM),
                       jnp.int32),
            pltpu.VMEM((WBATCH, d), jnp.float32),
            pltpu.VMEM((WBATCH, d), jnp.float32),
            pltpu.SemaphoreType.DMA,
            pltpu.SemaphoreType.DMA,
            pltpu.SemaphoreType.DMA,
            pltpu.SemaphoreType.DMA,
        ],
    )(_gather_body)
    out = run(idx_perm, weight)
    return out.reshape(s, b, d).transpose(1, 0, 2)

# --- scband reference (transcript-rebuilt; emitter-appended) ---
"""Pipeline reference for scband-embedding-85933705658749 (READ-ONLY COPY).

The authoritative reference and input builder live on the scoring server;
editing this copy changes nothing except your own understanding.
"""

import jax, jax.numpy as jnp
import numpy as np

NUM_EMBEDDINGS = 100000
EMBEDDING_DIM = 128

def setup_inputs(seed: int = 0) -> dict:
    key = jax.random.key(seed)
    k_idx, k_w = jax.random.split(key)
    indices = jax.random.randint(k_idx, (4096, 50), 0, NUM_EMBEDDINGS, dtype=jnp.int64 if jax.config.jax_enable_x64 else jnp.int32)
    weight = jax.random.normal(k_w, (NUM_EMBEDDINGS, EMBEDDING_DIM), dtype=jnp.float32) * 0.02
    return {"indices": indices, "weight": weight}

def reference(indices, weight):
    # F.embedding(indices, weight): gather rows of the embedding table
    return jnp.take(weight, indices, axis=0)

if __name__ == "__main__":
    import jax
    _d = setup_inputs()
    print(jax.jit(kernel)(*tuple(_d.values())))

</pallas_src>

<mosaic_0001>
#map = affine_map<(d0, d1) -> (0, 0, 0, 0)>
#map1 = affine_map<(d0, d1) -> (0, 0)>
module attributes {stable_mosaic.version = 14 : i64} {
  func.func @_gather_body(%arg0: i32, %arg1: i32, %arg2: memref<16x2x50x128xi32, #tpu.memory_space<hbm>>, %arg3: memref<100000x128xf32, #tpu.memory_space<hbm>>, %arg4: memref<204800x128xf32, #tpu.memory_space<hbm>>, %arg5: memref<50x128xi32, #tpu.memory_space<vmem>>, %arg6: memref<256x128xf32, #tpu.memory_space<vmem>>, %arg7: memref<256x128xf32, #tpu.memory_space<vmem>>, %arg8: memref<!tpu.dma_semaphore, #tpu.memory_space<semaphore_mem>>, %arg9: memref<!tpu.dma_semaphore, #tpu.memory_space<semaphore_mem>>, %arg10: memref<!tpu.dma_semaphore, #tpu.memory_space<semaphore_mem>>, %arg11: memref<!tpu.dma_semaphore, #tpu.memory_space<semaphore_mem>>) attributes {dimension_semantics = [#tpu.dimension_semantics<core_parallel>, #tpu.dimension_semantics<subcore_parallel>], iteration_bounds = array<i64: 2, 16>, scalar_prefetch = 0 : i64, scratch_operands = 7 : i64, tpu.core_type = #tpu.core_type<sc_vector_subcore>, window_params = [{transform_indices = #map}, {transform_indices = #map1}, {transform_indices = #map1}]} {
    %mul3A = arith.constant 2 : i32
    %mul3A_0 = arith.muli %arg1, %mul3A : i32
    %add3A = arith.addi %mul3A_0, %arg0 : i32
    %jit3A = arith.constant 2 : i32
    %div3A = arith.divsi %add3A, %jit3A : i32
    %sign3A = arith.constant 0 : i32
    %sign3A_1 = arith.cmpi sgt, %add3A, %sign3A : i32
    %sign3A_2 = arith.extui %sign3A_1 : i1 to i32
    %sign3A_3 = arith.constant 0 : i32
    %sign3A_4 = arith.cmpi slt, %add3A, %sign3A_3 : i32
    %sign3A_5 = arith.extui %sign3A_4 : i1 to i32
    %sign3A_6 = arith.subi %sign3A_2, %sign3A_5 : i32
    %sign3A_7 = arith.constant 0 : i32
    %sign3A_8 = arith.cmpi sgt, %jit3A, %sign3A_7 : i32
    %sign3A_9 = arith.extui %sign3A_8 : i1 to i32
    %sign3A_10 = arith.constant 0 : i32
    %sign3A_11 = arith.cmpi slt, %jit3A, %sign3A_10 : i32
    %sign3A_12 = arith.extui %sign3A_11 : i1 to i32
    %sign3A_13 = arith.subi %sign3A_9, %sign3A_12 : i32
    %ne3A = arith.cmpi ne, %sign3A_6, %sign3A_13 : i32
    %rem3A = arith.remsi %add3A, %jit3A : i32
    %ne3A_14 = arith.constant 0 : i32
    %ne3A_15 = arith.cmpi ne, %rem3A, %ne3A_14 : i32
    %and3A = arith.andi %ne3A, %ne3A_15 : i1
    %sub3A = arith.constant 1 : i32
    %sub3A_16 = arith.subi %div3A, %sub3A : i32
    %select_n3A = arith.select %and3A, %sub3A_16, %div3A : i32
    %jit3A_17 = arith.constant 2 : i32
    %eq3A = arith.constant 0 : i32
    %eq3A_18 = arith.cmpi eq, %jit3A_17, %eq3A : i32
    %jit3A_19 = arith.constant 1 : i32
    %select_n3A_20 = arith.select %eq3A_18, %jit3A_19, %jit3A_17 : i32
    %rem3A_21 = arith.remsi %add3A, %select_n3A_20 : i32
    %ne3A_22 = arith.constant 0 : i32
    %ne3A_23 = arith.cmpi ne, %rem3A_21, %ne3A_22 : i32
    %lt3A = arith.constant 0 : i32
    %lt3A_24 = arith.cmpi slt, %rem3A_21, %lt3A : i32
    %lt3A_25 = arith.constant 0 : i32
    %lt3A_26 = arith.cmpi slt, %select_n3A_20, %lt3A_25 : i32
    %ne3A_27 = arith.xori %lt3A_24, %lt3A_26 : i1
    %and3A_28 = arith.andi %ne3A_27, %ne3A_23 : i1
    %add3A_29 = arith.addi %rem3A_21, %select_n3A_20 : i32
    %select_n3A_30 = arith.select %and3A_28, %add3A_29, %rem3A_21 : i32
    %mul3A_31 = arith.constant 25 : i32
    %mul3A_32 = arith.muli %select_n3A_30, %mul3A_31 : i32
    %mul3A_33 = arith.constant 4096 : i32
    %mul3A_34 = arith.muli %mul3A_32, %mul3A_33 : i32
    %mul3A_35 = arith.constant 256 : i32
    %mul3A_36 = arith.muli %select_n3A, %mul3A_35 : i32
    %add3A_37 = arith.addi %mul3A_34, %mul3A_36 : i32
    "tpu.region"() ({
      %run_scoped3A = tpu.sem_alloc : memref<!tpu.dma_semaphore, #tpu.memory_space<semaphore_mem>>
      %dma_start3A_190 = arith.constant 0 : i32
      %dma_start3A_191 = arith.constant 0 : i32
      %dma_start3A_192 = tpu.memref_slice %arg2[%select_n3A, %select_n3A_30, %dma_start3A_190, %dma_start3A_191] : memref<16x2x50x128xi32, #tpu.memory_space<hbm>> -> memref<1x1x50x128xi32, #tpu.memory_space<hbm>>
      %dma_start3A_193 = tpu.memref_squeeze %dma_start3A_192 : memref<1x1x50x128xi32, #tpu.memory_space<hbm>> -> memref<50x128xi32, #tpu.memory_space<hbm>>
      %dma_start3A_194 = arith.constant 0 : i32
      %dma_start3A_195 = arith.constant 0 : i32
      %dma_start3A_196 = tpu.memref_slice %arg2[%select_n3A, %select_n3A_30, %dma_start3A_194, %dma_start3A_195] : memref<16x2x50x128xi32, #tpu.memory_space<hbm>> -> memref<1x1x50x128xi32, #tpu.memory_space<hbm>>
      %dma_start3A_197 = tpu.memref_squeeze %dma_start3A_196 : memref<1x1x50x128xi32, #tpu.memory_space<hbm>> -> memref<50x128xi32, #tpu.memory_space<hbm>>
      tpu.enqueue_dma source(%dma_start3A_197 : memref<50x128xi32, #tpu.memory_space<hbm>>) target(%arg5 : memref<50x128xi32, #tpu.memory_space<vmem>>) target_semaphore(%run_scoped3A : memref<!tpu.dma_semaphore, #tpu.memory_space<semaphore_mem>>)
      %dma_wait3A_198 = arith.constant 0 : i32
      %dma_wait3A_199 = arith.constant 0 : i32
      %dma_wait3A_200 = tpu.memref_slice %arg2[%select_n3A, %select_n3A_30, %dma_wait3A_198, %dma_wait3A_199] : memref<16x2x50x128xi32, #tpu.memory_space<hbm>> -> memref<1x1x50x128xi32, #tpu.memory_space<hbm>>
      %dma_wait3A_201 = tpu.memref_squeeze %dma_wait3A_200 : memref<1x1x50x128xi32, #tpu.memory_space<hbm>> -> memref<50x128xi32, #tpu.memory_space<hbm>>
      %dma_wait3A_202 = arith.constant 0 : i32
      %dma_wait3A_203 = arith.constant 0 : i32
      %dma_wait3A_204 = tpu.memref_slice %arg2[%select_n3A, %select_n3A_30, %dma_wait3A_202, %dma_wait3A_203] : memref<16x2x50x128xi32, #tpu.memory_space<hbm>> -> memref<1x1x50x128xi32, #tpu.memory_space<hbm>>
      %dma_wait3A_205 = tpu.memref_squeeze %dma_wait3A_204 : memref<1x1x50x128xi32, #tpu.memory_space<hbm>> -> memref<50x128xi32, #tpu.memory_space<hbm>>
      tpu.wait_dma2 semaphore(%run_scoped3A : memref<!tpu.dma_semaphore, #tpu.memory_space<semaphore_mem>>) src(%dma_wait3A_205 : memref<50x128xi32, #tpu.memory_space<hbm>>) dst(%arg5 : memref<50x128xi32, #tpu.memory_space<vmem>>)
      tpu.yield
    }) : () -> ()
    %dma_start3A = arith.constant 0 : i32
    %dma_start3A_38 = arith.constant 0 : i32
    %dma_start3A_39 = arith.constant 0 : i32
    %dma_start3A_40 = tpu.memref_slice %arg6[%dma_start3A_38, %dma_start3A_39] : memref<256x128xf32, #tpu.memory_space<vmem>> -> memref<128x128xf32, #tpu.memory_space<vmem>>
    %dma_start3A_41 = arith.constant 0 : i32
    %dma_start3A_42 = tpu.memref_slice %arg5[%dma_start3A, %dma_start3A_41] : memref<50x128xi32, #tpu.memory_space<vmem>> -> memref<1x128xi32, #tpu.memory_space<vmem>>
    %dma_start3A_43 = tpu.memref_squeeze %dma_start3A_42 : memref<1x128xi32, #tpu.memory_space<vmem>> -> memref<128xi32, #tpu.memory_space<vmem>>
    %dma_start3A_44 = arith.constant 0 : i32
    %dma_start3A_45 = arith.constant 0 : i32
    %dma_start3A_46 = tpu.memref_slice %arg3[%dma_start3A_44, %dma_start3A_45] : memref<100000x128xf32, #tpu.memory_space<hbm>> -> memref<100000x128xf32, #tpu.memory_space<hbm>>
    tpu.enqueue_indirect_dma source(%dma_start3A_46 : memref<100000x128xf32, #tpu.memory_space<hbm>>) target(%dma_start3A_40 : memref<128x128xf32, #tpu.memory_space<vmem>>) offsets(%dma_start3A_43 : memref<128xi32, #tpu.memory_space<vmem>>) semaphore(%arg8 : memref<!tpu.dma_semaphore, #tpu.memory_space<semaphore_mem>>)
    %dma_start3A_47 = arith.constant 1 : i32
    %dma_start3A_48 = arith.constant 128 : i32
    %dma_start3A_49 = arith.constant 0 : i32
    %dma_start3A_50 = tpu.memref_slice %arg6[%dma_start3A_48, %dma_start3A_49] : memref<256x128xf32, #tpu.memory_space<vmem>> -> memref<128x128xf32, #tpu.memory_space<vmem>>
    %dma_start3A_51 = arith.constant 0 : i32
    %dma_start3A_52 = tpu.memref_slice %arg5[%dma_start3A_47, %dma_start3A_51] : memref<50x128xi32, #tpu.memory_space<vmem>> -> memref<1x128xi32, #tpu.memory_space<vmem>>
    %dma_start3A_53 = tpu.memref_squeeze %dma_start3A_52 : memref<1x128xi32, #tpu.memory_space<vmem>> -> memref<128xi32, #tpu.memory_space<vmem>>
    %dma_start3A_54 = arith.constant 0 : i32
    %dma_start3A_55 = arith.constant 0 : i32
    %dma_start3A_56 = tpu.memref_slice %arg3[%dma_start3A_54, %dma_start3A_55] : memref<100000x128xf32, #tpu.memory_space<hbm>> -> memref<100000x128xf32, #tpu.memory_space<hbm>>
    tpu.enqueue_indirect_dma source(%dma_start3A_56 : memref<100000x128xf32, #tpu.memory_space<hbm>>) target(%dma_start3A_50 : memref<128x128xf32, #tpu.memory_space<vmem>>) offsets(%dma_start3A_53 : memref<128xi32, #tpu.memory_space<vmem>>) semaphore(%arg8 : memref<!tpu.dma_semaphore, #tpu.memory_space<semaphore_mem>>)
    %dma_start3A_57 = arith.constant 2 : i32
    %dma_start3A_58 = arith.constant 0 : i32
    %dma_start3A_59 = arith.constant 0 : i32
    %dma_start3A_60 = tpu.memref_slice %arg7[%dma_start3A_58, %dma_start3A_59] : memref<256x128xf32, #tpu.memory_space<vmem>> -> memref<128x128xf32, #tpu.memory_space<vmem>>
    %dma_start3A_61 = arith.constant 0 : i32
    %dma_start3A_62 = tpu.memref_slice %arg5[%dma_start3A_57, %dma_start3A_61] : memref<50x128xi32, #tpu.memory_space<vmem>> -> memref<1x128xi32, #tpu.memory_space<vmem>>
    %dma_start3A_63 = tpu.memref_squeeze %dma_start3A_62 : memref<1x128xi32, #tpu.memory_space<vmem>> -> memref<128xi32, #tpu.memory_space<vmem>>
    %dma_start3A_64 = arith.constant 0 : i32
    %dma_start3A_65 = arith.constant 0 : i32
    %dma_start3A_66 = tpu.memref_slice %arg3[%dma_start3A_64, %dma_start3A_65] : memref<100000x128xf32, #tpu.memory_space<hbm>> -> memref<100000x128xf32, #tpu.memory_space<hbm>>
    tpu.enqueue_indirect_dma source(%dma_start3A_66 : memref<100000x128xf32, #tpu.memory_space<hbm>>) target(%dma_start3A_60 : memref<128x128xf32, #tpu.memory_space<vmem>>) offsets(%dma_start3A_63 : memref<128xi32, #tpu.memory_space<vmem>>) semaphore(%arg9 : memref<!tpu.dma_semaphore, #tpu.memory_space<semaphore_mem>>)
    %dma_start3A_67 = arith.constant 3 : i32
    %dma_start3A_68 = arith.constant 128 : i32
    %dma_start3A_69 = arith.constant 0 : i32
    %dma_start3A_70 = tpu.memref_slice %arg7[%dma_start3A_68, %dma_start3A_69] : memref<256x128xf32, #tpu.memory_space<vmem>> -> memref<128x128xf32, #tpu.memory_space<vmem>>
    %dma_start3A_71 = arith.constant 0 : i32
    %dma_start3A_72 = tpu.memref_slice %arg5[%dma_start3A_67, %dma_start3A_71] : memref<50x128xi32, #tpu.memory_space<vmem>> -> memref<1x128xi32, #tpu.memory_space<vmem>>
    %dma_start3A_73 = tpu.memref_squeeze %dma_start3A_72 : memref<1x128xi32, #tpu.memory_space<vmem>> -> memref<128xi32, #tpu.memory_space<vmem>>
    %dma_start3A_74 = arith.constant 0 : i32
    %dma_start3A_75 = arith.constant 0 : i32
    %dma_start3A_76 = tpu.memref_slice %arg3[%dma_start3A_74, %dma_start3A_75] : memref<100000x128xf32, #tpu.memory_space<hbm>> -> memref<100000x128xf32, #tpu.memory_space<hbm>>
    tpu.enqueue_indirect_dma source(%dma_start3A_76 : memref<100000x128xf32, #tpu.memory_space<hbm>>) target(%dma_start3A_70 : memref<128x128xf32, #tpu.memory_space<vmem>>) offsets(%dma_start3A_73 : memref<128xi32, #tpu.memory_space<vmem>>) semaphore(%arg9 : memref<!tpu.dma_semaphore, #tpu.memory_space<semaphore_mem>>)
    %dma_wait3A = arith.constant 0 : i32
    %dma_wait3A_77 = arith.constant 0 : i32
    %dma_wait3A_78 = arith.constant 0 : i32
    %dma_wait3A_79 = tpu.memref_slice %arg6[%dma_wait3A_77, %dma_wait3A_78] : memref<256x128xf32, #tpu.memory_space<vmem>> -> memref<128x128xf32, #tpu.memory_space<vmem>>
    %dma_wait3A_80 = arith.constant 0 : i32
    %dma_wait3A_81 = tpu.memref_slice %arg5[%dma_wait3A, %dma_wait3A_80] : memref<50x128xi32, #tpu.memory_space<vmem>> -> memref<1x128xi32, #tpu.memory_space<vmem>>
    %dma_wait3A_82 = tpu.memref_squeeze %dma_wait3A_81 : memref<1x128xi32, #tpu.memory_space<vmem>> -> memref<128xi32, #tpu.memory_space<vmem>>
    %dma_wait3A_83 = arith.constant 0 : i32
    %dma_wait3A_84 = arith.constant 0 : i32
    %dma_wait3A_85 = tpu.memref_slice %arg3[%dma_wait3A_83, %dma_wait3A_84] : memref<100000x128xf32, #tpu.memory_space<hbm>> -> memref<100000x128xf32, #tpu.memory_space<hbm>>
    tpu.wait_indirect_dma semaphore(%arg8 : memref<!tpu.dma_semaphore, #tpu.memory_space<semaphore_mem>>) src(%dma_wait3A_85 : memref<100000x128xf32, #tpu.memory_space<hbm>>) dst(%dma_wait3A_79 : memref<128x128xf32, #tpu.memory_space<vmem>>)
    %dma_wait3A_86 = arith.constant 0 : i32
    %dma_wait3A_87 = arith.constant 128 : i32
    %dma_wait3A_88 = arith.constant 0 : i32
    %dma_wait3A_89 = tpu.memref_slice %arg6[%dma_wait3A_87, %dma_wait3A_88] : memref<256x128xf32, #tpu.memory_space<vmem>> -> memref<128x128xf32, #tpu.memory_space<vmem>>
    %dma_wait3A_90 = arith.constant 0 : i32
    %dma_wait3A_91 = tpu.memref_slice %arg5[%dma_wait3A_86, %dma_wait3A_90] : memref<50x128xi32, #tpu.memory_space<vmem>> -> memref<1x128xi32, #tpu.memory_space<vmem>>
    %dma_wait3A_92 = tpu.memref_squeeze %dma_wait3A_91 : memref<1x128xi32, #tpu.memory_space<vmem>> -> memref<128xi32, #tpu.memory_space<vmem>>
    %dma_wait3A_93 = arith.constant 0 : i32
    %dma_wait3A_94 = arith.constant 0 : i32
    %dma_wait3A_95 = tpu.memref_slice %arg3[%dma_wait3A_93, %dma_wait3A_94] : memref<100000x128xf32, #tpu.memory_space<hbm>> -> memref<100000x128xf32, #tpu.memory_space<hbm>>
    tpu.wait_indirect_dma semaphore(%arg8 : memref<!tpu.dma_semaphore, #tpu.memory_space<semaphore_mem>>) src(%dma_wait3A_95 : memref<100000x128xf32, #tpu.memory_space<hbm>>) dst(%dma_wait3A_89 : memref<128x128xf32, #tpu.memory_space<vmem>>)
    %add3A_96 = arith.constant 0 : i32
    %add3A_97 = arith.addi %add3A_96, %add3A_37 : i32
    %dma_start3A_98 = arith.constant 0 : i32
    %dma_start3A_99 = tpu.memref_slice %arg4[%add3A_97, %dma_start3A_98] : memref<204800x128xf32, #tpu.memory_space<hbm>> -> memref<256x128xf32, #tpu.memory_space<hbm>>
    %dma_start3A_100 = arith.constant 0 : i32
    %dma_start3A_101 = tpu.memref_slice %arg4[%add3A_97, %dma_start3A_100] : memref<204800x128xf32, #tpu.memory_space<hbm>> -> memref<256x128xf32, #tpu.memory_space<hbm>>
    tpu.enqueue_dma source(%arg6 : memref<256x128xf32, #tpu.memory_space<vmem>>) target(%dma_start3A_101 : memref<256x128xf32, #tpu.memory_space<hbm>>) target_semaphore(%arg10 : memref<!tpu.dma_semaphore, #tpu.memory_space<semaphore_mem>>)
    %scan3A = arith.constant 0 : i32
    %scan3A_102 = arith.constant 11 : i32
    %scan3A_103 = arith.addi %scan3A, %scan3A_102 : i32
    %scan3A_104 = arith.constant 1 : i32
    scf.for %scan3A_190 = %scan3A to %scan3A_103 step %scan3A_104  : i32 {
      %mul3A_191 = arith.constant 2 : i32
      %mul3A_192 = arith.muli %mul3A_191, %scan3A_190 : i32
      %add3A_193 = arith.constant 2 : i32
      %add3A_194 = arith.addi %add3A_193, %mul3A_192 : i32
      %add3A_195 = arith.constant 0 : i32
      %add3A_196 = arith.addi %add3A_194, %add3A_195 : i32
      %dma_wait3A_197 = arith.constant 0 : i32
      %dma_wait3A_198 = tpu.memref_slice %arg4[%add3A_37, %dma_wait3A_197] : memref<204800x128xf32, #tpu.memory_space<hbm>> -> memref<256x128xf32, #tpu.memory_space<hbm>>
      %dma_wait3A_199 = arith.constant 0 : i32
      %dma_wait3A_200 = tpu.memref_slice %arg4[%add3A_37, %dma_wait3A_199] : memref<204800x128xf32, #tpu.memory_space<hbm>> -> memref<256x128xf32, #tpu.memory_space<hbm>>
      tpu.wait_dma2 semaphore(%arg10 : memref<!tpu.dma_semaphore, #tpu.memory_space<semaphore_mem>>) src(%arg6 : memref<256x128xf32, #tpu.memory_space<vmem>>) dst(%dma_wait3A_200 : memref<256x128xf32, #tpu.memory_space<hbm>>)
      %mul3A_201 = arith.constant 2 : i32
      %mul3A_202 = arith.muli %add3A_196, %mul3A_201 : i32
      %add3A_203 = arith.constant 0 : i32
      %add3A_204 = arith.addi %mul3A_202, %add3A_203 : i32
      %dma_start3A_205 = arith.constant 0 : i32
      %dma_start3A_206 = arith.constant 0 : i32
      %dma_start3A_207 = tpu.memref_slice %arg6[%dma_start3A_205, %dma_start3A_206] : memref<256x128xf32, #tpu.memory_space<vmem>> -> memref<128x128xf32, #tpu.memory_space<vmem>>
      %dma_start3A_208 = arith.constant 0 : i32
      %dma_start3A_209 = tpu.memref_slice %arg5[%add3A_204, %dma_start3A_208] : memref<50x128xi32, #tpu.memory_space<vmem>> -> memref<1x128xi32, #tpu.memory_space<vmem>>
      %dma_start3A_210 = tpu.memref_squeeze %dma_start3A_209 : memref<1x128xi32, #tpu.memory_space<vmem>> -> memref<128xi32, #tpu.memory_space<vmem>>
      %dma_start3A_211 = arith.constant 0 : i32
      %dma_start3A_212 = arith.constant 0 : i32
      %dma_start3A_213 = tpu.memref_slice %arg3[%dma_start3A_211, %dma_start3A_212] : memref<100000x128xf32, #tpu.memory_space<hbm>> -> memref<100000x128xf32, #tpu.memory_space<hbm>>
      tpu.enqueue_indirect_dma source(%dma_start3A_213 : memref<100000x128xf32, #tpu.memory_space<hbm>>) target(%dma_start3A_207 : memref<128x128xf32, #tpu.memory_space<vmem>>) offsets(%dma_start3A_210 : memref<128xi32, #tpu.memory_space<vmem>>) semaphore(%arg8 : memref<!tpu.dma_semaphore, #tpu.memory_space<semaphore_mem>>)
      %mul3A_214 = arith.constant 2 : i32
      %mul3A_215 = arith.muli %add3A_196, %mul3A_214 : i32
      %add3A_216 = arith.constant 1 : i32
      %add3A_217 = arith.addi %mul3A_215, %add3A_216 : i32
      %dma_start3A_218 = arith.constant 128 : i32
      %dma_start3A_219 = arith.constant 0 : i32
      %dma_start3A_220 = tpu.memref_slice %arg6[%dma_start3A_218, %dma_start3A_219] : memref<256x128xf32, #tpu.memory_space<vmem>> -> memref<128x128xf32, #tpu.memory_space<vmem>>
      %dma_start3A_221 = arith.constant 0 : i32
      %dma_start3A_222 = tpu.memref_slice %arg5[%add3A_217, %dma_start3A_221] : memref<50x128xi32, #tpu.memory_space<vmem>> -> memref<1x128xi32, #tpu.memory_space<vmem>>
      %dma_start3A_223 = tpu.memref_squeeze %dma_start3A_222 : memref<1x128xi32, #tpu.memory_space<vmem>> -> memref<128xi32, #tpu.memory_space<vmem>>
      %dma_start3A_224 = arith.constant 0 : i32
      %dma_start3A_225 = arith.constant 0 : i32
      %dma_start3A_226 = tpu.memref_slice %arg3[%dma_start3A_224, %dma_start3A_225] : memref<100000x128xf32, #tpu.memory_space<hbm>> -> memref<100000x128xf32, #tpu.memory_space<hbm>>
      tpu.enqueue_indirect_dma source(%dma_start3A_226 : memref<100000x128xf32, #tpu.memory_space<hbm>>) target(%dma_start3A_220 : memref<128x128xf32, #tpu.memory_space<vmem>>) offsets(%dma_start3A_223 : memref<128xi32, #tpu.memory_space<vmem>>) semaphore(%arg8 : memref<!tpu.dma_semaphore, #tpu.memory_space<semaphore_mem>>)
      %dma_wait3A_227 = arith.constant 0 : i32
      %dma_wait3A_228 = arith.constant 0 : i32
      %dma_wait3A_229 = arith.constant 0 : i32
      %dma_wait3A_230 = tpu.memref_slice %arg7[%dma_wait3A_228, %dma_wait3A_229] : memref<256x128xf32, #tpu.memory_space<vmem>> -> memref<128x128xf32, #tpu.memory_space<vmem>>
      %dma_wait3A_231 = arith.constant 0 : i32
      %dma_wait3A_232 = tpu.memref_slice %arg5[%dma_wait3A_227, %dma_wait3A_231] : memref<50x128xi32, #tpu.memory_space<vmem>> -> memref<1x128xi32, #tpu.memory_space<vmem>>
      %dma_wait3A_233 = tpu.memref_squeeze %dma_wait3A_232 : memref<1x128xi32, #tpu.memory_space<vmem>> -> memref<128xi32, #tpu.memory_space<vmem>>
      %dma_wait3A_234 = arith.constant 0 : i32
      %dma_wait3A_235 = arith.constant 0 : i32
      %dma_wait3A_236 = tpu.memref_slice %arg3[%dma_wait3A_234, %dma_wait3A_235] : memref<100000x128xf32, #tpu.memory_space<hbm>> -> memref<100000x128xf32, #tpu.memory_space<hbm>>
      tpu.wait_indirect_dma semaphore(%arg9 : memref<!tpu.dma_semaphore, #tpu.memory_space<semaphore_mem>>) src(%dma_wait3A_236 : memref<100000x128xf32, #tpu.memory_space<hbm>>) dst(%dma_wait3A_230 : memref<128x128xf32, #tpu.memory_space<vmem>>)
      %dma_wait3A_237 = arith.constant 0 : i32
      %dma_wait3A_238 = arith.constant 128 : i32
      %dma_wait3A_239 = arith.constant 0 : i32
      %dma_wait3A_240 = tpu.memref_slice %arg7[%dma_wait3A_238, %dma_wait3A_239] : memref<256x128xf32, #tpu.memory_space<vmem>> -> memref<128x128xf32, #tpu.memory_space<vmem>>
      %dma_wait3A_241 = arith.constant 0 : i32
      %dma_wait3A_242 = tpu.memref_slice %arg5[%dma_wait3A_237, %dma_wait3A_241] : memref<50x128xi32, #tpu.memory_space<vmem>> -> memref<1x128xi32, #tpu.memory_space<vmem>>
      %dma_wait3A_243 = tpu.memref_squeeze %dma_wait3A_242 : memref<1x128xi32, #tpu.memory_space<vmem>> -> memref<128xi32, #tpu.memory_space<vmem>>
      %dma_wait3A_244 = arith.constant 0 : i32
      %dma_wait3A_245 = arith.constant 0 : i32
      %dma_wait3A_246 = tpu.memref_slice %arg3[%dma_wait3A_244, %dma_wait3A_245] : memref<100000x128xf32, #tpu.memory_space<hbm>> -> memref<100000x128xf32, #tpu.memory_space<hbm>>
      tpu.wait_indirect_dma semaphore(%arg9 : memref<!tpu.dma_semaphore, #tpu.memory_space<semaphore_mem>>) src(%dma_wait3A_246 : memref<100000x128xf32, #tpu.memory_space<hbm>>) dst(%dma_wait3A_240 : memref<128x128xf32, #tpu.memory_space<vmem>>)
      %sub3A_247 = arith.constant 1 : i32
      %sub3A_248 = arith.subi %add3A_196, %sub3A_247 : i32
      %mul3A_249 = arith.constant 4096 : i32
      %mul3A_250 = arith.muli %sub3A_248, %mul3A_249 : i32
      %add3A_251 = arith.addi %mul3A_250, %add3A_37 : i32
      %dma_start3A_252 = arith.constant 0 : i32
      %dma_start3A_253 = tpu.memref_slice %arg4[%add3A_251, %dma_start3A_252] : memref<204800x128xf32, #tpu.memory_space<hbm>> -> memref<256x128xf32, #tpu.memory_space<hbm>>
      %dma_start3A_254 = arith.constant 0 : i32
      %dma_start3A_255 = tpu.memref_slice %arg4[%add3A_251, %dma_start3A_254] : memref<204800x128xf32, #tpu.memory_space<hbm>> -> memref<256x128xf32, #tpu.memory_space<hbm>>
      tpu.enqueue_dma source(%arg7 : memref<256x128xf32, #tpu.memory_space<vmem>>) target(%dma_start3A_255 : memref<256x128xf32, #tpu.memory_space<hbm>>) target_semaphore(%arg11 : memref<!tpu.dma_semaphore, #tpu.memory_space<semaphore_mem>>)
      %mul3A_256 = arith.constant 2 : i32
      %mul3A_257 = arith.muli %mul3A_256, %scan3A_190 : i32
      %add3A_258 = arith.constant 2 : i32
      %add3A_259 = arith.addi %add3A_258, %mul3A_257 : i32
      %add3A_260 = arith.constant 1 : i32
      %add3A_261 = arith.addi %add3A_259, %add3A_260 : i32
      %dma_wait3A_262 = arith.constant 0 : i32
      %dma_wait3A_263 = tpu.memref_slice %arg4[%add3A_37, %dma_wait3A_262] : memref<204800x128xf32, #tpu.memory_space<hbm>> -> memref<256x128xf32, #tpu.memory_space<hbm>>
      %dma_wait3A_264 = arith.constant 0 : i32
      %dma_wait3A_265 = tpu.memref_slice %arg4[%add3A_37, %dma_wait3A_264] : memref<204800x128xf32, #tpu.memory_space<hbm>> -> memref<256x128xf32, #tpu.memory_space<hbm>>
      tpu.wait_dma2 semaphore(%arg11 : memref<!tpu.dma_semaphore, #tpu.memory_space<semaphore_mem>>) src(%arg7 : memref<256x128xf32, #tpu.memory_space<vmem>>) dst(%dma_wait3A_265 : memref<256x128xf32, #tpu.memory_space<hbm>>)
      %mul3A_266 = arith.constant 2 : i32
      %mul3A_267 = arith.muli %add3A_261, %mul3A_266 : i32
      %add3A_268 = arith.constant 0 : i32
      %add3A_269 = arith.addi %mul3A_267, %add3A_268 : i32
      %dma_start3A_270 = arith.constant 0 : i32
      %dma_start3A_271 = arith.constant 0 : i32
      %dma_start3A_272 = tpu.memref_slice %arg7[%dma_start3A_270, %dma_start3A_271] : memref<256x128xf32, #tpu.memory_space<vmem>> -> memref<128x128xf32, #tpu.memory_space<vmem>>
      %dma_start3A_273 = arith.constant 0 : i32
      %dma_start3A_274 = tpu.memref_slice %arg5[%add3A_269, %dma_start3A_273] : memref<50x128xi32, #tpu.memory_space<vmem>> -> memref<1x128xi32, #tpu.memory_space<vmem>>
      %dma_start3A_275 = tpu.memref_squeeze %dma_start3A_274 : memref<1x128xi32, #tpu.memory_space<vmem>> -> memref<128xi32, #tpu.memory_space<vmem>>
      %dma_start3A_276 = arith.constant 0 : i32
      %dma_start3A_277 = arith.constant 0 : i32
      %dma_start3A_278 = tpu.memref_slice %arg3[%dma_start3A_276, %dma_start3A_277] : memref<100000x128xf32, #tpu.memory_space<hbm>> -> memref<100000x128xf32, #tpu.memory_space<hbm>>
      tpu.enqueue_indirect_dma source(%dma_start3A_278 : memref<100000x128xf32, #tpu.memory_space<hbm>>) target(%dma_start3A_272 : memref<128x128xf32, #tpu.memory_space<vmem>>) offsets(%dma_start3A_275 : memref<128xi32, #tpu.memory_space<vmem>>) semaphore(%arg9 : memref<!tpu.dma_semaphore, #tpu.memory_space<semaphore_mem>>)
      %mul3A_279 = arith.constant 2 : i32
      %mul3A_280 = arith.muli %add3A_261, %mul3A_279 : i32
      %add3A_281 = arith.constant 1 : i32
      %add3A_282 = arith.addi %mul3A_280, %add3A_281 : i32
      %dma_start3A_283 = arith.constant 128 : i32
      %dma_start3A_284 = arith.constant 0 : i32
      %dma_start3A_285 = tpu.memref_slice %arg7[%dma_start3A_283, %dma_start3A_284] : memref<256x128xf32, #tpu.memory_space<vmem>> -> memref<128x128xf32, #tpu.memory_space<vmem>>
      %dma_start3A_286 = arith.constant 0 : i32
      %dma_start3A_287 = tpu.memref_slice %arg5[%add3A_282, %dma_start3A_286] : memref<50x128xi32, #tpu.memory_space<vmem>> -> memref<1x128xi32, #tpu.memory_space<vmem>>
      %dma_start3A_288 = tpu.memref_squeeze %dma_start3A_287 : memref<1x128xi32, #tpu.memory_space<vmem>> -> memref<128xi32, #tpu.memory_space<vmem>>
      %dma_start3A_289 = arith.constant 0 : i32
      %dma_start3A_290 = arith.constant 0 : i32
      %dma_start3A_291 = tpu.memref_slice %arg3[%dma_start3A_289, %dma_start3A_290] : memref<100000x128xf32, #tpu.memory_space<hbm>> -> memref<100000x128xf32, #tpu.memory_space<hbm>>
      tpu.enqueue_indirect_dma source(%dma_start3A_291 : memref<100000x128xf32, #tpu.memory_space<hbm>>) target(%dma_start3A_285 : memref<128x128xf32, #tpu.memory_space<vmem>>) offsets(%dma_start3A_288 : memref<128xi32, #tpu.memory_space<vmem>>) semaphore(%arg9 : memref<!tpu.dma_semaphore, #tpu.memory_space<semaphore_mem>>)
      %dma_wait3A_292 = arith.constant 0 : i32
      %dma_wait3A_293 = arith.constant 0 : i32
      %dma_wait3A_294 = arith.constant 0 : i32
      %dma_wait3A_295 = tpu.memref_slice %arg6[%dma_wait3A_293, %dma_wait3A_294] : memref<256x128xf32, #tpu.memory_space<vmem>> -> memref<128x128xf32, #tpu.memory_space<vmem>>
      %dma_wait3A_296 = arith.constant 0 : i32
      %dma_wait3A_297 = tpu.memref_slice %arg5[%dma_wait3A_292, %dma_wait3A_296] : memref<50x128xi32, #tpu.memory_space<vmem>> -> memref<1x128xi32, #tpu.memory_space<vmem>>
      %dma_wait3A_298 = tpu.memref_squeeze %dma_wait3A_297 : memref<1x128xi32, #tpu.memory_space<vmem>> -> memref<128xi32, #tpu.memory_space<vmem>>
      %dma_wait3A_299 = arith.constant 0 : i32
      %dma_wait3A_300 = arith.constant 0 : i32
      %dma_wait3A_301 = tpu.memref_slice %arg3[%dma_wait3A_299, %dma_wait3A_300] : memref<100000x128xf32, #tpu.memory_space<hbm>> -> memref<100000x128xf32, #tpu.memory_space<hbm>>
      tpu.wait_indirect_dma semaphore(%arg8 : memref<!tpu.dma_semaphore, #tpu.memory_space<semaphore_mem>>) src(%dma_wait3A_301 : memref<100000x128xf32, #tpu.memory_space<hbm>>) dst(%dma_wait3A_295 : memref<128x128xf32, #tpu.memory_space<vmem>>)
      %dma_wait3A_302 = arith.constant 0 : i32
      %dma_wait3A_303 = arith.constant 128 : i32
      %dma_wait3A_304 = arith.constant 0 : i32
      %dma_wait3A_305 = tpu.memref_slice %arg6[%dma_wait3A_303, %dma_wait3A_304] : memref<256x128xf32, #tpu.memory_space<vmem>> -> memref<128x128xf32, #tpu.memory_space<vmem>>
      %dma_wait3A_306 = arith.constant 0 : i32
      %dma_wait3A_307 = tpu.memref_slice %arg5[%dma_wait3A_302, %dma_wait3A_306] : memref<50x128xi32, #tpu.memory_space<vmem>> -> memref<1x128xi32, #tpu.memory_space<vmem>>
      %dma_wait3A_308 = tpu.memref_squeeze %dma_wait3A_307 : memref<1x128xi32, #tpu.memory_space<vmem>> -> memref<128xi32, #tpu.memory_space<vmem>>
      %dma_wait3A_309 = arith.constant 0 : i32
      %dma_wait3A_310 = arith.constant 0 : i32
      %dma_wait3A_311 = tpu.memref_slice %arg3[%dma_wait3A_309, %dma_wait3A_310] : memref<100000x128xf32, #tpu.memory_space<hbm>> -> memref<100000x128xf32, #tpu.memory_space<hbm>>
      tpu.wait_indirect_dma semaphore(%arg8 : memref<!tpu.dma_semaphore, #tpu.memory_space<semaphore_mem>>) src(%dma_wait3A_311 : memref<100000x128xf32, #tpu.memory_space<hbm>>) dst(%dma_wait3A_305 : memref<128x128xf32, #tpu.memory_space<vmem>>)
      %sub3A_312 = arith.constant 1 : i32
      %sub3A_313 = arith.subi %add3A_261, %sub3A_312 : i32
      %mul3A_314 = arith.constant 4096 : i32
      %mul3A_315 = arith.muli %sub3A_313, %mul3A_314 : i32
      %add3A_316 = arith.addi %mul3A_315, %add3A_37 : i32
      %dma_start3A_317 = arith.constant 0 : i32
      %dma_start3A_318 = tpu.memref_slice %arg4[%add3A_316, %dma_start3A_317] : memref<204800x128xf32, #tpu.memory_space<hbm>> -> memref<256x128xf32, #tpu.memory_space<hbm>>
      %dma_start3A_319 = arith.constant 0 : i32
      %dma_start3A_320 = tpu.memref_slice %arg4[%add3A_316, %dma_start3A_319] : memref<204800x128xf32, #tpu.memory_space<hbm>> -> memref<256x128xf32, #tpu.memory_space<hbm>>
      tpu.enqueue_dma source(%arg6 : memref<256x128xf32, #tpu.memory_space<vmem>>) target(%dma_start3A_320 : memref<256x128xf32, #tpu.memory_space<hbm>>) target_semaphore(%arg10 : memref<!tpu.dma_semaphore, #tpu.memory_space<semaphore_mem>>)
    }
    %scan3A_105 = arith.constant 11 : i32
    %dma_wait3A_106 = arith.constant 0 : i32
    %dma_wait3A_107 = tpu.memref_slice %arg4[%add3A_37, %dma_wait3A_106] : memref<204800x128xf32, #tpu.memory_space<hbm>> -> memref<256x128xf32, #tpu.memory_space<hbm>>
    %dma_wait3A_108 = arith.constant 0 : i32
    %dma_wait3A_109 = tpu.memref_slice %arg4[%add3A_37, %dma_wait3A_108] : memref<204800x128xf32, #tpu.memory_space<hbm>> -> memref<256x128xf32, #tpu.memory_space<hbm>>
    tpu.wait_dma2 semaphore(%arg10 : memref<!tpu.dma_semaphore, #tpu.memory_space<semaphore_mem>>) src(%arg6 : memref<256x128xf32, #tpu.memory_space<vmem>>) dst(%dma_wait3A_109 : memref<256x128xf32, #tpu.memory_space<hbm>>)
    %dma_start3A_110 = arith.constant 48 : i32
    %dma_start3A_111 = arith.constant 0 : i32
    %dma_start3A_112 = arith.constant 0 : i32
    %dma_start3A_113 = tpu.memref_slice %arg6[%dma_start3A_111, %dma_start3A_112] : memref<256x128xf32, #tpu.memory_space<vmem>> -> memref<128x128xf32, #tpu.memory_space<vmem>>
    %dma_start3A_114 = arith.constant 0 : i32
    %dma_start3A_115 = tpu.memref_slice %arg5[%dma_start3A_110, %dma_start3A_114] : memref<50x128xi32, #tpu.memory_space<vmem>> -> memref<1x128xi32, #tpu.memory_space<vmem>>
    %dma_start3A_116 = tpu.memref_squeeze %dma_start3A_115 : memref<1x128xi32, #tpu.memory_space<vmem>> -> memref<128xi32, #tpu.memory_space<vmem>>
    %dma_start3A_117 = arith.constant 0 : i32
    %dma_start3A_118 = arith.constant 0 : i32
    %dma_start3A_119 = tpu.memref_slice %arg3[%dma_start3A_117, %dma_start3A_118] : memref<100000x128xf32, #tpu.memory_space<hbm>> -> memref<100000x128xf32, #tpu.memory_space<hbm>>
    tpu.enqueue_indirect_dma source(%dma_start3A_119 : memref<100000x128xf32, #tpu.memory_space<hbm>>) target(%dma_start3A_113 : memref<128x128xf32, #tpu.memory_space<vmem>>) offsets(%dma_start3A_116 : memref<128xi32, #tpu.memory_space<vmem>>) semaphore(%arg8 : memref<!tpu.dma_semaphore, #tpu.memory_space<semaphore_mem>>)
    %dma_start3A_120 = arith.constant 49 : i32
    %dma_start3A_121 = arith.constant 128 : i32
    %dma_start3A_122 = arith.constant 0 : i32
    %dma_start3A_123 = tpu.memref_slice %arg6[%dma_start3A_121, %dma_start3A_122] : memref<256x128xf32, #tpu.memory_space<vmem>> -> memref<128x128xf32, #tpu.memory_space<vmem>>
    %dma_start3A_124 = arith.constant 0 : i32
    %dma_start3A_125 = tpu.memref_slice %arg5[%dma_start3A_120, %dma_start3A_124] : memref<50x128xi32, #tpu.memory_space<vmem>> -> memref<1x128xi32, #tpu.memory_space<vmem>>
    %dma_start3A_126 = tpu.memref_squeeze %dma_start3A_125 : memref<1x128xi32, #tpu.memory_space<vmem>> -> memref<128xi32, #tpu.memory_space<vmem>>
    %dma_start3A_127 = arith.constant 0 : i32
    %dma_start3A_128 = arith.constant 0 : i32
    %dma_start3A_129 = tpu.memref_slice %arg3[%dma_start3A_127, %dma_start3A_128] : memref<100000x128xf32, #tpu.memory_space<hbm>> -> memref<100000x128xf32, #tpu.memory_space<hbm>>
    tpu.enqueue_indirect_dma source(%dma_start3A_129 : memref<100000x128xf32, #tpu.memory_space<hbm>>) target(%dma_start3A_123 : memref<128x128xf32, #tpu.memory_space<vmem>>) offsets(%dma_start3A_126 : memref<128xi32, #tpu.memory_space<vmem>>) semaphore(%arg8 : memref<!tpu.dma_semaphore, #tpu.memory_space<semaphore_mem>>)
    %dma_wait3A_130 = arith.constant 0 : i32
    %dma_wait3A_131 = arith.constant 0 : i32
    %dma_wait3A_132 = arith.constant 0 : i32
    %dma_wait3A_133 = tpu.memref_slice %arg7[%dma_wait3A_131, %dma_wait3A_132] : memref<256x128xf32, #tpu.memory_space<vmem>> -> memref<128x128xf32, #tpu.memory_space<vmem>>
    %dma_wait3A_134 = arith.constant 0 : i32
    %dma_wait3A_135 = tpu.memref_slice %arg5[%dma_wait3A_130, %dma_wait3A_134] : memref<50x128xi32, #tpu.memory_space<vmem>> -> memref<1x128xi32, #tpu.memory_space<vmem>>
    %dma_wait3A_136 = tpu.memref_squeeze %dma_wait3A_135 : memref<1x128xi32, #tpu.memory_space<vmem>> -> memref<128xi32, #tpu.memory_space<vmem>>
    %dma_wait3A_137 = arith.constant 0 : i32
    %dma_wait3A_138 = arith.constant 0 : i32
    %dma_wait3A_139 = tpu.memref_slice %arg3[%dma_wait3A_137, %dma_wait3A_138] : memref<100000x128xf32, #tpu.memory_space<hbm>> -> memref<100000x128xf32, #tpu.memory_space<hbm>>
    tpu.wait_indirect_dma semaphore(%arg9 : memref<!tpu.dma_semaphore, #tpu.memory_space<semaphore_mem>>) src(%dma_wait3A_139 : memref<100000x128xf32, #tpu.memory_space<hbm>>) dst(%dma_wait3A_133 : memref<128x128xf32, #tpu.memory_space<vmem>>)
    %dma_wait3A_140 = arith.constant 0 : i32
    %dma_wait3A_141 = arith.constant 128 : i32
    %dma_wait3A_142 = arith.constant 0 : i32
    %dma_wait3A_143 = tpu.memref_slice %arg7[%dma_wait3A_141, %dma_wait3A_142] : memref<256x128xf32, #tpu.memory_space<vmem>> -> memref<128x128xf32, #tpu.memory_space<vmem>>
    %dma_wait3A_144 = arith.constant 0 : i32
    %dma_wait3A_145 = tpu.memref_slice %arg5[%dma_wait3A_140, %dma_wait3A_144] : memref<50x128xi32, #tpu.memory_space<vmem>> -> memref<1x128xi32, #tpu.memory_space<vmem>>
    %dma_wait3A_146 = tpu.memref_squeeze %dma_wait3A_145 : memref<1x128xi32, #tpu.memory_space<vmem>> -> memref<128xi32, #tpu.memory_space<vmem>>
    %dma_wait3A_147 = arith.constant 0 : i32
    %dma_wait3A_148 = arith.constant 0 : i32
    %dma_wait3A_149 = tpu.memref_slice %arg3[%dma_wait3A_147, %dma_wait3A_148] : memref<100000x128xf32, #tpu.memory_space<hbm>> -> memref<100000x128xf32, #tpu.memory_space<hbm>>
    tpu.wait_indirect_dma semaphore(%arg9 : memref<!tpu.dma_semaphore, #tpu.memory_space<semaphore_mem>>) src(%dma_wait3A_149 : memref<100000x128xf32, #tpu.memory_space<hbm>>) dst(%dma_wait3A_143 : memref<128x128xf32, #tpu.memory_space<vmem>>)
    %add3A_150 = arith.constant 94208 : i32
    %add3A_151 = arith.addi %add3A_150, %add3A_37 : i32
    %dma_start3A_152 = arith.constant 0 : i32
    %dma_start3A_153 = tpu.memref_slice %arg4[%add3A_151, %dma_start3A_152] : memref<204800x128xf32, #tpu.memory_space<hbm>> -> memref<256x128xf32, #tpu.memory_space<hbm>>
    %dma_start3A_154 = arith.constant 0 : i32
    %dma_start3A_155 = tpu.memref_slice %arg4[%add3A_151, %dma_start3A_154] : memref<204800x128xf32, #tpu.memory_space<hbm>> -> memref<256x128xf32, #tpu.memory_space<hbm>>
    tpu.enqueue_dma source(%arg7 : memref<256x128xf32, #tpu.memory_space<vmem>>) target(%dma_start3A_155 : memref<256x128xf32, #tpu.memory_space<hbm>>) target_semaphore(%arg11 : memref<!tpu.dma_semaphore, #tpu.memory_space<semaphore_mem>>)
    %dma_wait3A_156 = arith.constant 0 : i32
    %dma_wait3A_157 = arith.constant 0 : i32
    %dma_wait3A_158 = arith.constant 0 : i32
    %dma_wait3A_159 = tpu.memref_slice %arg6[%dma_wait3A_157, %dma_wait3A_158] : memref<256x128xf32, #tpu.memory_space<vmem>> -> memref<128x128xf32, #tpu.memory_space<vmem>>
    %dma_wait3A_160 = arith.constant 0 : i32
    %dma_wait3A_161 = tpu.memref_slice %arg5[%dma_wait3A_156, %dma_wait3A_160] : memref<50x128xi32, #tpu.memory_space<vmem>> -> memref<1x128xi32, #tpu.memory_space<vmem>>
    %dma_wait3A_162 = tpu.memref_squeeze %dma_wait3A_161 : memref<1x128xi32, #tpu.memory_space<vmem>> -> memref<128xi32, #tpu.memory_space<vmem>>
    %dma_wait3A_163 = arith.constant 0 : i32
    %dma_wait3A_164 = arith.constant 0 : i32
    %dma_wait3A_165 = tpu.memref_slice %arg3[%dma_wait3A_163, %dma_wait3A_164] : memref<100000x128xf32, #tpu.memory_space<hbm>> -> memref<100000x128xf32, #tpu.memory_space<hbm>>
    tpu.wait_indirect_dma semaphore(%arg8 : memref<!tpu.dma_semaphore, #tpu.memory_space<semaphore_mem>>) src(%dma_wait3A_165 : memref<100000x128xf32, #tpu.memory_space<hbm>>) dst(%dma_wait3A_159 : memref<128x128xf32, #tpu.memory_space<vmem>>)
    %dma_wait3A_166 = arith.constant 0 : i32
    %dma_wait3A_167 = arith.constant 128 : i32
    %dma_wait3A_168 = arith.constant 0 : i32
    %dma_wait3A_169 = tpu.memref_slice %arg6[%dma_wait3A_167, %dma_wait3A_168] : memref<256x128xf32, #tpu.memory_space<vmem>> -> memref<128x128xf32, #tpu.memory_space<vmem>>
    %dma_wait3A_170 = arith.constant 0 : i32
    %dma_wait3A_171 = tpu.memref_slice %arg5[%dma_wait3A_166, %dma_wait3A_170] : memref<50x128xi32, #tpu.memory_space<vmem>> -> memref<1x128xi32, #tpu.memory_space<vmem>>
    %dma_wait3A_172 = tpu.memref_squeeze %dma_wait3A_171 : memref<1x128xi32, #tpu.memory_space<vmem>> -> memref<128xi32, #tpu.memory_space<vmem>>
    %dma_wait3A_173 = arith.constant 0 : i32
    %dma_wait3A_174 = arith.constant 0 : i32
    %dma_wait3A_175 = tpu.memref_slice %arg3[%dma_wait3A_173, %dma_wait3A_174] : memref<100000x128xf32, #tpu.memory_space<hbm>> -> memref<100000x128xf32, #tpu.memory_space<hbm>>
    tpu.wait_indirect_dma semaphore(%arg8 : memref<!tpu.dma_semaphore, #tpu.memory_space<semaphore_mem>>) src(%dma_wait3A_175 : memref<100000x128xf32, #tpu.memory_space<hbm>>) dst(%dma_wait3A_169 : memref<128x128xf32, #tpu.memory_space<vmem>>)
    %add3A_176 = arith.constant 98304 : i32
    %add3A_177 = arith.addi %add3A_176, %add3A_37 : i32
    %dma_start3A_178 = arith.constant 0 : i32
    %dma_start3A_179 = tpu.memref_slice %arg4[%add3A_177, %dma_start3A_178] : memref<204800x128xf32, #tpu.memory_space<hbm>> -> memref<256x128xf32, #tpu.memory_space<hbm>>
    %dma_start3A_180 = arith.constant 0 : i32
    %dma_start3A_181 = tpu.memref_slice %arg4[%add3A_177, %dma_start3A_180] : memref<204800x128xf32, #tpu.memory_space<hbm>> -> memref<256x128xf32, #tpu.memory_space<hbm>>
    tpu.enqueue_dma source(%arg6 : memref<256x128xf32, #tpu.memory_space<vmem>>) target(%dma_start3A_181 : memref<256x128xf32, #tpu.memory_space<hbm>>) target_semaphore(%arg10 : memref<!tpu.dma_semaphore, #tpu.memory_space<semaphore_mem>>)
    %dma_wait3A_182 = arith.constant 0 : i32
    %dma_wait3A_183 = tpu.memref_slice %arg4[%add3A_37, %dma_wait3A_182] : memref<204800x128xf32, #tpu.memory_space<hbm>> -> memref<256x128xf32, #tpu.memory_space<hbm>>
    %dma_wait3A_184 = arith.constant 0 : i32
    %dma_wait3A_185 = tpu.memref_slice %arg4[%add3A_37, %dma_wait3A_184] : memref<204800x128xf32, #tpu.memory_space<hbm>> -> memref<256x128xf32, #tpu.memory_space<hbm>>
    tpu.wait_dma2 semaphore(%arg11 : memref<!tpu.dma_semaphore, #tpu.memory_space<semaphore_mem>>) src(%arg7 : memref<256x128xf32, #tpu.memory_space<vmem>>) dst(%dma_wait3A_185 : memref<256x128xf32, #tpu.memory_space<hbm>>)
    %dma_wait3A_186 = arith.constant 0 : i32
    %dma_wait3A_187 = tpu.memref_slice %arg4[%add3A_37, %dma_wait3A_186] : memref<204800x128xf32, #tpu.memory_space<hbm>> -> memref<256x128xf32, #tpu.memory_space<hbm>>
    %dma_wait3A_188 = arith.constant 0 : i32
    %dma_wait3A_189 = tpu.memref_slice %arg4[%add3A_37, %dma_wait3A_188] : memref<204800x128xf32, #tpu.memory_space<hbm>> -> memref<256x128xf32, #tpu.memory_space<hbm>>
    tpu.wait_dma2 semaphore(%arg10 : memref<!tpu.dma_semaphore, #tpu.memory_space<semaphore_mem>>) src(%arg6 : memref<256x128xf32, #tpu.memory_space<vmem>>) dst(%dma_wait3A_189 : memref<256x128xf32, #tpu.memory_space<hbm>>)
    return
  }
}

</mosaic_0001>

<sc_bundles>
// kernel: kernel.3.cloned.1.call-start
scs
__scs_entry_jumppad:
0x0: {  	(pc) =	sbr.rel $0x88, $3  }
0x1: {  	(tag) =	ssettag $0x0;
	lr =	simm.s32 $0x1  }
0x2: {  	[smem:$0x3F9F] =	sst lr;
	_ =	strace $0xD0000000  }
0x3: {  	_ = 	snop  }
0x4: {  	_ = 	snop  }
0x5: {  	_ = 	snop  }
0x6: {  	_ = 	snop  }
0x7: {  	_ = 	snop  }
__scs_overlays_trampoline_lowered:
0x8: {  	[smem:$0x3FAE] =	sst s0  }
0x9: {  	[smem:$0x3FAF] =	sst s1  }
0xa: {  	[smem:$0x3FB0] =	sst s2  }
0xb: {  	[smem:$0x3FB1] =	sst s3  }
0xc: {  	[smem:$0x3FB2] =	sst s4  }
0xd: {  	[smem:$0x3FB3] =	sst s5  }
0xe: {  	[smem:$0x3FB4] =	sst s6  }
0xf: {  	[smem:$0x3FB5] =	sst s7  }
0x10: {  	[smem:$0x3FB6] =	sst s8  }
0x11: {  	[smem:$0x3FB7] =	sst s9;
	s0 =	simm.s32 @!p0 $0x0  }
0x12: {  	s1 =	sld [smem:$0x3F9D];
	s0 =	simm.s32 @p0 $0x1  }
0x13: {  	[smem:$0x3FB8] =	sst s0;
	s0 =	simm.s32 @!p1 $0x0  }
0x14: {  	s2 =	sld [smem:$0x3F9C];
	s0 =	simm.s32 @p1 $0x1  }
0x15: {  	[smem:$0x3FB9] =	sst s0;
	s0 =	simm.s32 @!p2 $0x0  }
0x16: {  	s3 =	sld [smem:$0x3FDB];
	s0 =	simm.s32 @p2 $0x1  }
0x17: {  	s4 =	simm.s32 $0x1BF5;
	[smem:$0x3FBB] =	sst s0  }
0x18: {  	s0 =	sld [smem:$0x3F9E];
	_ =	swait.ge [sflag:s4], $0x0  }
0x19: {  	s7 =	sld [smem:$0x3F9F]  }
0x1a: {  	s8 =	sadd.s32 $0xFFFFE003, lr  }
0x1b: {  	s9 =	sadd.s32 $0xFFFFFEF7, lr;
	s5 =	simm.s32 $0xFFFFFFFF;
	p2 =	slt.u32 s8, $0xFFFFF086  }
0x1c: {  	p1 =	slt.u32 s9, $0xF7A;
	s5 =	simm.s32 @!p2 $0x0  }
0x1d: {  	s5 =	simm.s32 @p1 $0x1;
	p0 =	seq.s32 s7, s2  }
0x1e: {  	s7 =	smul.u32 @!p0 $0xF7A, s2;
	p2 =	seq.s32 @!p0 s5, $0x0  }
0x1f: {  	s9 =	smul.u32 $0xF7A, s1;
	s8 =	simm.s32 @!p0 $0x1BF5;
	p2 =	por !p2, p0  }
0x20: {  	[sflag:s8] =	ssyncset.s32 @!p0 $0xFFFFF086;
	s6 =	sadd.s32 @!p0 s3, s7;
	s7 =	simm.s32 @!p0 $0x108  }
0x21: {  	s3 =	sadd.s32 s3, s9;
	s6 =	sadd.s32 @!p0 $0x88, s6;
	s7 =	simm.s32 @p2 $0x1082  }
0x22: {  	[simem:s7], [sflag:s8] =	dma.local @!p0 [hbm:s6], $0xF7A  }
0x23: {  	s9 =	sor.u32 $0xD0000000, s2;
	s6 =	simm.s32 $0x108;
	_ =	swait.ge @!p0 [sflag:s8], $0x0  }
0x24: {  	s3 =	sadd.s32 $0x88, s3;
	s6 =	simm.s32 @!p1 $0x1082;
	[sflag:s4] =	ssyncset.s32 $0xFFFFF086  }
0x25: {  	[simem:s6], [sflag:s4] =	dma.local [hbm:s3], $0xF7A  }
0x26: {  	[smem:$0x3F9F] =	sst s1;
	(tag) =	ssettag s2;
	_ =	strace s9  }
0x27: {  	s1 =	sld [smem:$0x3FAF]  }
0x28: {  	s2 =	sld [smem:$0x3FB0]  }
0x29: {  	s4 =	sld [smem:$0x3FB2]  }
0x2a: {  	p0 =	seq.s32 s5, $0x0;
	s5 =	sld [smem:$0x3FB3]  }
0x2b: {  	s6 =	sld [smem:$0x3FB4]  }
0x2c: {  	s7 =	sld [smem:$0x3FB5]  }
0x2d: {  	s3 =	simm.s32 $0x108;
	s8 =	sld [smem:$0x3FB6]  }
0x2e: {  	s3 =	simm.s32 @!p0 $0x1082;
	s9 =	sld [smem:$0x3FB7]  }
0x2f: {  	lr =	sadd.s32 s0, s3;
	s0 =	sld [smem:$0x3FAE]  }
0x30: {  	s3 =	sld [smem:$0x3FB1]  }
0x31: {  	[smem:$0x3FBA] =	sst s10  }
0x32: {  	s10 =	sld [smem:$0x3FB8];
	_ =	sdelay $0x3  }
0x33: {  	p0 =	seq.s32 s10, $0x1;
	s10 =	sld [smem:$0x3FBA];
	_ =	sdelay $0x3  }
0x34: {  	[smem:$0x3FBA] =	sst s10  }
0x35: {  	s10 =	sld [smem:$0x3FB9];
	_ =	sdelay $0x3  }
0x36: {  	p1 =	seq.s32 s10, $0x1;
	s10 =	sld [smem:$0x3FBA];
	_ =	sdelay $0x3  }
0x37: {  	[smem:$0x3FBA] =	sst s10  }
0x38: {  	s10 =	sld [smem:$0x3FBB]  }
0x39: {  	_ = 	snop;
	(pc) =	sbr.ind lr, $3  }
0x3a: {  	_ = 	snop  }
0x3b: {  	_ = 	snop  }
0x3c: {  	p2 =	seq.s32 s10, $0x1;
	s10 =	sld [smem:$0x3FBA]  }
0x3d: {  	_ =	shalt  }
0x3e: {  	_ =	shalt  }
0x3f: {  	_ =	shalt  }
0x40: {  	_ =	shalt  }
0x41: {  	_ =	shalt  }
0x42: {  	_ =	shalt  }
0x43: {  	_ =	shalt  }
0x44: {  	_ =	shalt  }
0x45: {  	_ =	shalt  }
0x46: {  	_ =	shalt  }
0x47: {  	_ =	shalt  }
0x48: {  	_ =	shalt  }
0x49: {  	_ =	shalt  }
0x4a: {  	_ =	shalt  }
0x4b: {  	_ =	shalt  }
0x4c: {  	_ =	shalt  }
0x4d: {  	_ =	shalt  }
0x4e: {  	_ =	shalt  }
0x4f: {  	_ =	shalt  }
0x50: {  	_ =	shalt  }
0x51: {  	_ =	shalt  }
0x52: {  	_ =	shalt  }
0x53: {  	_ =	shalt  }
0x54: {  	_ =	shalt  }
0x55: {  	_ =	shalt  }
0x56: {  	_ =	shalt  }
0x57: {  	_ =	shalt  }
0x58: {  	_ =	shalt  }
0x59: {  	_ =	shalt  }
0x5a: {  	_ =	shalt  }
0x5b: {  	_ =	shalt  }
0x5c: {  	_ =	shalt  }
0x5d: {  	_ =	shalt  }
0x5e: {  	_ =	shalt  }
0x5f: {  	_ =	shalt  }
0x60: {  	_ =	shalt  }
0x61: {  	_ =	shalt  }
0x62: {  	_ =	shalt  }
0x63: {  	_ =	shalt  }
0x64: {  	_ =	shalt  }
0x65: {  	_ =	shalt  }
0x66: {  	_ =	shalt  }
0x67: {  	_ =	shalt  }
0x68: {  	_ =	shalt  }
0x69: {  	_ =	shalt  }
0x6a: {  	_ =	shalt  }
0x6b: {  	_ =	shalt  }
0x6c: {  	_ =	shalt  }
0x6d: {  	_ =	shalt  }
0x6e: {  	_ =	shalt  }
0x6f: {  	_ =	shalt  }
0x70: {  	_ =	shalt  }
0x71: {  	_ =	shalt  }
0x72: {  	_ =	shalt  }
0x73: {  	_ =	shalt  }
0x74: {  	_ =	shalt  }
0x75: {  	_ =	shalt  }
0x76: {  	_ =	shalt  }
0x77: {  	_ =	shalt  }
0x78: {  	_ =	shalt  }
0x79: {  	_ =	shalt  }
0x7a: {  	_ =	shalt  }
0x7b: {  	_ =	shalt  }
0x7c: {  	_ =	shalt  }
0x7d: {  	_ =	shalt  }
0x7e: {  	_ =	shalt  }
0x7f: {  	_ =	shalt  }
0x80: {  	_ =	shalt  }
0x81: {  	_ =	shalt  }
0x82: {  	_ =	shalt  }
0x83: {  	_ =	shalt  }
0x84: {  	_ =	shalt  }
0x85: {  	_ =	shalt  }
0x86: {  	_ =	shalt  }
0x87: {  	_ =	shalt  }
.Lfunc_end0:
.L_simem_size_0:
called_computation_lowered:
.L_overlay_start_0:
0x88: {  	s2 =	sld [smem:$0x3FD9]  }
0x89: {  	s3 =	sld [smem:$0x3FFE];
	_ =	sdelay $0x1  }
0x8a: {  	s1 =	srdreg.scid  }
0x8b: {  	s0 =	sand.u32 $0x1, s1  }
0x8c: {  	s17 =	sshll.u32 s0, $0xA;
	s2 =	sadd.s32 s3, s2  }
0x8d: {  	s2 =	sadd.s32 s2, s17  }
0x8e: {  	[smem:$0x3FC6] =	sst s2  }
0x8f: {  	_ = 	snop  }
0x90: {  	s2 =	sld [smem:$0x3FC8]  }
0x91: {  	s18 =	sld [smem:$0x3FD0];
	(tm) =	ssettm $0x1  }
0x92: {  	s4 =	sld [smem:$0x3FFB];
	_ =	sdelay $0x3  }
0x93: {  	_ =	strace s4  }
0x94: {  	s4 =	sld [smem:$0x3FFC];
	_ =	sdelay $0x3  }
0x95: {  	_ =	strace s4  }
0x96: {  	s4 =	sld [smem:$0x3FFD];
	_ =	sdelay $0x3  }
0x97: {  	_ =	strace s4  }
0x98: {  	_ =	strace $0x8FFFFFFF  }
0x99: {  	s19 =	sld [smem:$0x3FDB];
	_ =	sdelay $0x1  }
0x9a: {  	s5 =	simm.s32 $_scs_section_size  }
0x9b: {  	s6 =	simm.s32 $_size__tile_overlayer_lowered;
	s7 =	simm.s32 $_tile_overlayer_lowered  }
0x9c: {  	s22 =	simm.s32 $0x1BFF;
	s21 =	sshll.u32 s7, $0x1;
	s4 =	sadd.s32 s5, s19  }
0x9d: {  	s8 =	simm.s32 $0x0;
	s20 =	sshll.u32 s6, $0x1;
	s6 =	sadd.s32 s21, s4  }
0x9e: {  	[timem:s8], [sflag:s22] =	dma.local [hbm:s6], s20  }
0x9f: {  	_ =	swait.ge [sflag:s22], s20  }
0xa0: {  	s5 =	ssub.s32 $0x0, s20;
	[sflag:s22] =	ssyncset.done $0x0  }
0xa1: {  	[sflag:s22] =	ssyncadd.s32 s5;
	_ =	sdelay $0x1  }
0xa2: {  	s23 =	simm.s32 $0x1B8B  }
0xa3: {  	_ =	swait.ge [sflag:s23], $0x1  }
0xa4: {  	[sflag:s23] =	ssyncset.done $0x0  }
0xa5: {  	s25 =	simm.s32 $0x1B8E;
	s24 =	sld [smem:$0x3FFE];
	[sflag:s23] =	ssyncadd.s32 $0xFFFFFFFF  }
0xa6: {  	s26 =	simm.s32 $execute0_lowered;
	[smem:$0x3FD2] =	sst s25  }
0xa7: {  	s6 =	sshll.u32 s26, $0x1;
	_ =	strace $0x80000046;
	[dreg:$0x1] =	wrdreg $0xFFFFFFFF  }
0xa8: {  	s28 =	simm.s32 $_size_execute0_lowered;
	s4 =	sadd.s32 s4, s6;
	[dreg:$0x0] =	wrdreg $0x0  }
0xa9: {  	s6 =	sshll.u32 s28, $0x1;
	[dreg:$0x2] =	wrdreg s4  }
0xaa: {  	[dreg:$0x3] =	wrdreg s6  }
0xab: {  	[dreg:$0x4] =	wrdreg $0xC0  }
0xac: {  	_ =	task [dreg:s8], $0x5FFFF  }
0xad: {  	[dreg:$0x1] =	wrdreg $0xFFFFFFFF  }
0xae: {  	[dreg:$0x0] =	wrdreg $0x60  }
0xaf: {  	[dreg:$0x2] =	wrdreg s24  }
0xb0: {  	[dreg:$0x3] =	wrdreg s2  }
0xb1: {  	[dreg:$0x4] =	wrdreg s18  }
0xb2: {  	[dreg:$0x5] =	wrdreg $0x9  }
0xb3: {  	_ =	task.clear_ibuf [dreg:s8], $0x6FFFF;
	_ =	strace $0x90000046  }
0xb4: {  	s29 =	simm.s32 $0x9;
	_ =	strace $0x80000048  }
0xb5: {  	_ =	swait.ge [sflag:s29], $0x1  }
0xb6: {  	[sflag:s29] =	ssyncadd.s32 $0xFFFFFFFF  }
0xb7: {  	_ =	strace $0x90000048  }
0xb8: {  	_ =	sfence  }
0xb9: {  	s30 =	sld [smem:$0x0];
	_ =	sdelay $0x2  }
0xba: {  	s31 =	sshll.u32 s1, $0xD;
	s1 =	sshrl.u32 s1, $0x2  }
0xbb: {  	s3 =	sand.u32 $0x4000, s31;
	s1 =	sadd.s32 s1, s30  }
0xbc: {  	s0 =	sor.u32 s3, s0;
	s1 =	sshll.u32 s1, $0x11  }
0xbd: {  	s0 =	sor.u32 s1, s0  }
0xbe: {  	s0 =	sadd.s32 $0x8F2B, s0  }
0xbf: {  	[sflag:s0] =	ssyncadd.remote.s32 $0x1  }
0xc0: {  	_ =	sfence.sel $0xFFFF  }
0xc1: {  	[dreg:$0x0] =	wrdreg $0xFFFFFFFF;
	(pc) =	sbr.abs _section_cstart, $3  }
0xc2: {  	[dreg:$0x1] =	wrdreg $0xFFFFFFFF  }
0xc3: {  	_ =	task.clear_ibuf [dreg:s8], $0x2FFFF;
	_ =	strace $0x9FFFFFFF  }
0xc4: {  	(tm) =	ssettm $0x7FFFFFFF  }
0xc5: {  	_ =	shalt  }
tec
execute0_lowered:
.L_overlay_start_1:
0x0: {  	(tag) =	ssettag $0x1  }
0x1: {  	s5 =	rddreg [dreg:$0x0]  }
0x2: {  	s1 =	srdreg.scid;
	s2 =	rddreg [dreg:$0x1]  }
0x3: {  	s0 =	stileid.u32;
	s11 =	rddreg [dreg:$0x2]  }
0x4: {  	s3 =	simm.s32 $0x0;
	s4 =	simm.s32 $0x1;
	s16 =	simm.s32 $0x100  }
0x5: {  	s17 =	simm.s32 $0x9C00;
	s18 =	simm.s32 $0x180;
	s7 =	sand.u32 $0x1, s1  }
0x6: {  	s19 =	simm.s32 $0xDC00;
	s20 =	simm.s32 $0x3;
	s1 =	sor.u32 s7, s0  }
0x7: {  	s21 =	simm.s32 $0x2;
	p1 =	seq.s32 s7, $0x1;
	p0 =	seq.s32 s1, $0x0  }
0x8: {  	s22 =	simm.s32 $0x4;
	s9 =	smul.u32 $0x1C00, s7;
	p0 =	por !p0, !p1  }
0x9: {  	s10 =	smul.u32 $0x19000, s7;
	s1 =	simm.s32 $0x1;
	p0 =	por !p0, !p0  }
0xa: {  	[smem:$0x7FF] =	sst s3;
	s28 =	smul.u32 $0x190000, s7;
	s1 =	simm.s32 @!p0 $0x0  }
0xb: {  	s23 =	ssub.s32 $0x2, s7;
	s14 =	smul.u32 $0xC80000, s7;
	s8 =	ssub.s32 s0, s1  }
0xc: {  	_ =	strace $0x80000047;
	s12 =	sshrl.u32 s23, $0x1;
	s6 =	smul.u32 $0x3800, s8  }
0xd: {  	s13 =	sshll.u32 s8, $0x8;
	s30 =	sshll.u32 s8, $0xF;
	s15 =	sshll.u32 s8, $0xC  }
0xe: {  	s24 =	sadd.s32 s10, s13;
	s13 =	sadd.s32 s28, s11;
	s6 =	sadd.s32 s9, s6  }
0xf: {  	s9 =	ssub.s32 s23, s12;
	s10 =	sshll.u32 s24, $0x4;
	s25 =	sshll.u32 s24, $0x7  }
0x10: {  	s31 =	sadd.s32 s15, s13;
	s13 =	simm.s32 $0x80;
	s15 =	simm.s32 $0x5C00  }
0x11: {  	s23 =	simm.s32 $0x1800;
	s24 =	simm.s32 $0x1880;
	s6 =	sshrl.u32 s6, $0x3  }
0x12: {  	s26 =	sadd.s32 $0xB80000, s25;
	s12 =	sadd.s32 $0xC00000, s25;
	s9 =	smax.u32 s9, $0x1  }
0x13: {  	s25 =	simm.s32 $0x0;
	s5 =	sadd.s32 s6, s5;
	s6 =	sadd.s32 s11, s10  }
0x14: {  	s10 =	sshrl.u32 s26, $0x3;
	s29 =	sshrl.u32 s12, $0x3;
	s12 =	sadd.s32 s30, s14  }
0x15: {  	s14 =	simm.s32 $0x1C00;
	s5 =	sadd.s32 $0x400, s5;
	s12 =	sadd.s32 $0x100000, s12  }
0x16: {  	s7 =	sadd.s32 s11, s10;
	s8 =	sadd.s32 s11, s29;
	s12 =	sshrl.u32 s12, $0x3  }
0x17: {  	s10 =	sadd.s32 $0x10000, s31;
	s11 =	sadd.s32 s12, s11;
	s12 =	simm.s32 $0x5  }
.LBB2_1:
0x18: {  	[tilespmem:s3], [sflag:$0x5] =	stream.linear.gather [hbm4b:s5+s3], $0x1900, $0x38;
	[tilespmem:$0x11C00] =	vst v63  }
0x19: {  	_ =	swait.ge [sflag:s12], $0x1900  }
0x1a: {  	[sflag:s12] =	ssyncset.done $0x0  }
0x1b: {  	[sflag:s12] =	ssyncadd.s32 $0xFFFFE700  }
0x1c: {  	[tilespmem:s14], [sflag:$0x1] =	stream.indirect.gather [hbm4b:s2+s13], $0x80, s3, s13, $0xb8;
	[tilespmem:$0x11C00] =	vst v63  }
0x1d: {  	_ = 	snop  }
0x1e: {  	[tilespmem:s15], [sflag:$0x1] =	stream.indirect.gather [hbm4b:s2+s13], $0x80, s13, s13, $0xb8;
	[tilespmem:$0x11C00] =	vst v63  }
0x1f: {  	_ = 	snop  }
0x20: {  	[tilespmem:s17], [sflag:$0x2] =	stream.indirect.gather [hbm4b:s2+s13], $0x80, s16, s13, $0xb8;
	[tilespmem:$0x11C00] =	vst v63  }
0x21: {  	_ = 	snop  }
0x22: {  	[tilespmem:s19], [sflag:$0x2] =	stream.indirect.gather [hbm4b:s2+s13], $0x80, s18, s13, $0xb8;
	[tilespmem:$0x11C00] =	vst v63  }
0x23: {  	_ =	swait.ge [sflag:s4], $0x4000  }
0x24: {  	[sflag:s4] =	ssyncset.done $0x0  }
0x25: {  	[sflag:s4] =	ssyncadd.s32 $0xFFFFC000  }
0x26: {  	_ =	swait.ge [sflag:s4], $0x4000  }
0x27: {  	[sflag:s4] =	ssyncset.done $0x0  }
0x28: {  	[sflag:s4] =	ssyncadd.s32 $0xFFFFC000  }
0x29: {  	[hbm4b:s6+s3] =	stream.linear.scatter [tilespmem:s14], [sflag:$0x3], $0x8000, $0x38;
	[tilespmem:$0x11C00] =	vst v63  }
0x2a: {  	_ =	swait.ge [sflag:s20], $0x8000  }
0x2b: {  	[sflag:s20] =	ssyncset.done $0x0  }
0x2c: {  	s26 =	simm.s32 $0x200;
	[sflag:s20] =	ssyncadd.s32 $0xFFFF8000  }
0x2d: {  	[tilespmem:s14], [sflag:$0x1] =	stream.indirect.gather [hbm4b:s2+s13], $0x80, s26, s13, $0xb8;
	[tilespmem:$0x11C00] =	vst v63  }
0x2e: {  	s31 =	simm.s32 $0x280  }
0x2f: {  	[tilespmem:s15], [sflag:$0x1] =	stream.indirect.gather [hbm4b:s2+s13], $0x80, s31, s13, $0xb8;
	[tilespmem:$0x11C00] =	vst v63  }
0x30: {  	_ =	swait.ge [sflag:s21], $0x4000  }
0x31: {  	[sflag:s21] =	ssyncset.done $0x0  }
0x32: {  	[sflag:s21] =	ssyncadd.s32 $0xFFFFC000  }
0x33: {  	_ =	swait.ge [sflag:s21], $0x4000  }
0x34: {  	[sflag:s21] =	ssyncset.done $0x0  }
0x35: {  	[sflag:s21] =	ssyncadd.s32 $0xFFFFC000  }
0x36: {  	[hbm4b:s10+s3] =	stream.linear.scatter [tilespmem:s17], [sflag:$0x4], $0x8000, $0x38;
	[tilespmem:$0x11C00] =	vst v63  }
0x37: {  	_ =	swait.ge [sflag:s22], $0x8000  }
0x38: {  	[sflag:s22] =	ssyncset.done $0x0  }
0x39: {  	s1 =	simm.s32 $0x300;
	[sflag:s22] =	ssyncadd.s32 $0xFFFF8000  }
0x3a: {  	[tilespmem:s17], [sflag:$0x2] =	stream.indirect.gather [hbm4b:s2+s13], $0x80, s1, s13, $0xb8;
	[tilespmem:$0x11C00] =	vst v63  }
0x3b: {  	s31 =	simm.s32 $0x380  }
0x3c: {  	[tilespmem:s19], [sflag:$0x2] =	stream.indirect.gather [hbm4b:s2+s13], $0x80, s31, s13, $0xb8;
	[tilespmem:$0x11C00] =	vst v63  }
0x3d: {  	_ =	swait.ge [sflag:s4], $0x4000  }
0x3e: {  	[sflag:s4] =	ssyncset.done $0x0  }
0x3f: {  	[sflag:s4] =	ssyncadd.s32 $0xFFFFC000  }
0x40: {  	_ =	swait.ge [sflag:s4], $0x4000  }
0x41: {  	s28 =	sadd.s32 $0x20000, s10;
	s29 =	sadd.s32 $0x20000, s11;
	[sflag:s4] =	ssyncset.done $0x0  }
0x42: {  	s30 =	smov.u32 s11;
	s26 =	simm.s32 $0x800;
	[sflag:s4] =	ssyncadd.s32 $0xFFFFC000  }
.LBB2_2:
0x43: {  	[hbm4b:s30+s3] =	stream.linear.scatter [tilespmem:s14], [sflag:$0x3], $0x8000, $0x38;
	[tilespmem:$0x11C00] =	vst v63  }
0x44: {  	s31 =	smov.u32 s26;
	s30 =	smov.u32 s29  }
0x45: {  	p0 =	sne.s32 s26, $0x5000;
	s26 =	sadd.s32 $0x800, s26;
	_ =	swait.ge [sflag:s20], $0x8000  }
0x46: {  	s31 =	sshra.s32 s31, $0x2;
	[sflag:s20] =	ssyncset.done $0x0  }
0x47: {  	s1 =	sadd.s32 $0x200, s31;
	[sflag:s20] =	ssyncadd.s32 $0xFFFF8000  }
0x48: {  	[tilespmem:s14], [sflag:$0x1] =	stream.indirect.gather [hbm4b:s2+s13], $0x80, s1, s13, $0xb8;
	[tilespmem:$0x11C00] =	vst v63  }
0x49: {  	s1 =	sadd.s32 $0x280, s31  }
0x4a: {  	[tilespmem:s15], [sflag:$0x1] =	stream.indirect.gather [hbm4b:s2+s13], $0x80, s1, s13, $0xb8;
	[tilespmem:$0x11C00] =	vst v63  }
0x4b: {  	_ =	swait.ge [sflag:s21], $0x4000  }
0x4c: {  	[sflag:s21] =	ssyncset.done $0x0  }
0x4d: {  	[sflag:s21] =	ssyncadd.s32 $0xFFFFC000  }
0x4e: {  	_ =	swait.ge [sflag:s21], $0x4000  }
0x4f: {  	[sflag:s21] =	ssyncset.done $0x0  }
0x50: {  	[sflag:s21] =	ssyncadd.s32 $0xFFFFC000  }
0x51: {  	[hbm4b:s28+s3] =	stream.linear.scatter [tilespmem:s17], [sflag:$0x4], $0x8000, $0x38;
	[tilespmem:$0x11C00] =	vst v63  }
0x52: {  	_ =	swait.ge [sflag:s22], $0x8000  }
0x53: {  	[sflag:s22] =	ssyncset.done $0x0  }
0x54: {  	s1 =	sadd.s32 $0x300, s31;
	[sflag:s22] =	ssyncadd.s32 $0xFFFF8000  }
0x55: {  	[tilespmem:s17], [sflag:$0x2] =	stream.indirect.gather [hbm4b:s2+s13], $0x80, s1, s13, $0xb8;
	[tilespmem:$0x11C00] =	vst v63  }
0x56: {  	s1 =	sadd.s32 $0x380, s31  }
0x57: {  	[tilespmem:s19], [sflag:$0x2] =	stream.indirect.gather [hbm4b:s2+s13], $0x80, s1, s13, $0xb8;
	[tilespmem:$0x11C00] =	vst v63  }
0x58: {  	_ =	swait.ge [sflag:s4], $0x4000  }
.Ltmp0:
0x59: {  	[sflag:s4] =	ssyncset.done $0x0;
	(pc) =	sbr.rel @p0 .LBB2_2-.Ltmp0, $4  }
0x5a: {  	[sflag:s4] =	ssyncadd.s32 $0xFFFFC000  }
0x5b: {  	_ =	swait.ge [sflag:s4], $0x4000  }
0x5c: {  	[sflag:s4] =	ssyncset.done $0x0  }
0x5d: {  	s29 =	sadd.s32 $0x20000, s29;
	s28 =	sadd.s32 $0x20000, s28;
	[sflag:s4] =	ssyncadd.s32 $0xFFFFC000  }
0x5e: {  	[hbm4b:s30+s3] =	stream.linear.scatter [tilespmem:s14], [sflag:$0x3], $0x8000, $0x38;
	[tilespmem:$0x11C00] =	vst v63  }
0x5f: {  	_ =	swait.ge [sflag:s20], $0x8000  }
0x60: {  	[sflag:s20] =	ssyncset.done $0x0  }
0x61: {  	[sflag:s20] =	ssyncadd.s32 $0xFFFF8000  }
0x62: {  	[tilespmem:s14], [sflag:$0x1] =	stream.indirect.gather [hbm4b:s2+s13], $0x80, s23, s13, $0xb8;
	[tilespmem:$0x11C00] =	vst v63  }
0x63: {  	_ = 	snop  }
0x64: {  	[tilespmem:s15], [sflag:$0x1] =	stream.indirect.gather [hbm4b:s2+s13], $0x80, s24, s13, $0xb8;
	[tilespmem:$0x11C00] =	vst v63  }
0x65: {  	_ =	swait.ge [sflag:s21], $0x4000  }
0x66: {  	[sflag:s21] =	ssyncset.done $0x0  }
0x67: {  	[sflag:s21] =	ssyncadd.s32 $0xFFFFC000  }
0x68: {  	_ =	swait.ge [sflag:s21], $0x4000  }
0x69: {  	[sflag:s21] =	ssyncset.done $0x0  }
0x6a: {  	[sflag:s21] =	ssyncadd.s32 $0xFFFFC000  }
0x6b: {  	[hbm4b:s7+s3] =	stream.linear.scatter [tilespmem:s17], [sflag:$0x4], $0x8000, $0x38;
	[tilespmem:$0x11C00] =	vst v63  }
0x6c: {  	_ =	swait.ge [sflag:s4], $0x4000  }
0x6d: {  	[sflag:s4] =	ssyncset.done $0x0  }
0x6e: {  	[sflag:s4] =	ssyncadd.s32 $0xFFFFC000  }
0x6f: {  	_ =	swait.ge [sflag:s4], $0x4000  }
0x70: {  	[sflag:s4] =	ssyncset.done $0x0  }
0x71: {  	s25 =	sadd.s32 $0x1, s25;
	[sflag:s4] =	ssyncadd.s32 $0xFFFFC000  }
0x72: {  	[hbm4b:s8+s3] =	stream.linear.scatter [tilespmem:s14], [sflag:$0x3], $0x8000, $0x38;
	[tilespmem:$0x11C00] =	vst v63  }
0x73: {  	p0 =	sne.s32 s25, s9;
	_ =	swait.ge [sflag:s22], $0x8000  }
.Ltmp1:
0x74: {  	[sflag:s22] =	ssyncset.done $0x0;
	(pc) =	sbr.rel @p0 .LBB2_1-.Ltmp1, $4  }
0x75: {  	[sflag:s22] =	ssyncadd.s32 $0xFFFF8000  }
0x76: {  	_ =	swait.ge [sflag:s20], $0x8000  }
0x77: {  	[sflag:s20] =	ssyncset.done $0x0  }
0x78: {  	[sflag:s20] =	ssyncadd.s32 $0xFFFF8000  }
0x79: {  	_ =	sfence.sel $0x180000  }
0x7a: {  	[bflag:$0x0] =	sbarrier.arrive $0xFFFF  }
0x7b: {  	_ =	strace $0x90000047  }
0x7c: {  	[bflag:$0x2] =	sbarrier.arrive $0xFFFF  }
0x7d: {  	p0 =	sne.s32 s0, $0x0;
	s0 =	rddreg [dreg:$0x3]  }
0x7e: {  	s0 =	sadd.s32 @!p0 $0x100000, s0  }
0x7f: {  	[sflag:s0] =	ssyncadd.tile.s32 @!p0 $0x1;
	_ =	shalt  }
.Lfunc_end2:
_tile_overlayer_lowered:
.L_overlay_start_2:
0x80: {  	(tag) =	ssettag $0x2  }
0x81: {  	s0 =	rddreg [dreg:$0x0];
	s2 =	stileid.u32  }
0x82: {  	s1 =	rddreg [dreg:$0x1];
	p0 =	sne.s32 s2, $0x0  }
0x83: {  	s3 =	rddreg [dreg:$0x2];
	[bflag:$0x3] =	sbarrier.arrive $0xFFFF;
	s2 =	simm.s32 @!p0 $0x1C05  }
0x84: {  	[timem:s3], [sflag:s2] =	dma.local @!p0 [hbm:s0], s1  }
0x85: {  	s0 =	simm.s32 @!p0 $0x5  }
0x86: {  	_ =	swait.ge @!p0 [sflag:s0], s1  }
0x87: {  	s1 =	ssub.s32 @!p0 $0x0, s1;
	[sflag:s0] =	ssyncset.done @!p0 $0x0  }
0x88: {  	[sflag:s0] =	ssyncadd.s32 @!p0 s1  }
0x89: {  	[bflag:$0x3] =	sbarrier.arrive $0xFFFF  }
0x8a: {  	_ =	shalt  }

</sc_bundles>
